<compile_context>
chip_gen: v7x
topology: tpu7x:2x2x1
jax: 0.10.2.dev20260603
libtpu: 0.0.44.dev20260713+nightly
codegen_flags: <defaults>
</compile_context>

<pallas_src>
import functools

import jax
import jax.numpy as jnp
from jax import lax
from jax.experimental import pallas as pl
from jax.experimental.pallas import tpu as pltpu
from jax.experimental.pallas import tpu_sc as plsc

B = 16384
D = 16
NROWS = 100001
NC = 2
NS = 16
NW = NC * NS
HALF = B // 2
CHUNK = 2048
NCHUNK = HALF // CHUNK


def _make_gather(dtype):
    mesh = plsc.VectorSubcoreMesh(core_axis_name="c", subcore_axis_name="s")

    @functools.partial(
        pl.kernel,
        mesh=mesh,
        out_type=jax.ShapeDtypeStruct((D, B), dtype),
        scratch_types=[
            pltpu.VMEM((HALF,), jnp.int32),
            pltpu.VMEM((HALF,), dtype),
            pltpu.SemaphoreType.DMA,
        ],
        compiler_params=pltpu.CompilerParams(use_tc_tiling_on_sc=False),
    )
    def gather_kernel(idx_hbm, tflat_hbm, out_hbm, idx_v, row_v, sem):
        wid = lax.axis_index("s") * NC + lax.axis_index("c")
        d = lax.rem(wid, D)
        half = lax.div(wid, D)
        base = half * HALF
        pltpu.sync_copy(idx_hbm.at[pl.ds(base, HALF)], idx_v)
        dbase = d * NROWS

        def shift(j, carry):
            sl = pl.ds(j * 16, 16)
            idx_v[sl] = idx_v[sl] + dbase
            return carry

        lax.fori_loop(0, HALF // 16, shift, 0, unroll=16)
        copies = [
            pltpu.async_copy(
                tflat_hbm.at[idx_v.at[pl.ds(j * CHUNK, CHUNK)]],
                row_v.at[pl.ds(j * CHUNK, CHUNK)],
                sem,
            )
            for j in range(NCHUNK)
        ]
        for c in copies:
            c.wait()
        pltpu.sync_copy(row_v, out_hbm.at[d, pl.ds(base, HALF)])

    return gather_kernel


def kernel(inputs, table):
    tflat = jnp.swapaxes(table, 0, 1).reshape(-1)
    out_t = _make_gather(table.dtype)(inputs.astype(jnp.int32), tflat)
    return jnp.swapaxes(out_t, 0, 1)

# --- scband reference (transcript-rebuilt; emitter-appended) ---
"""Pipeline reference for scband-hash-table-with-array-17901423690013 (READ-ONLY COPY).

The authoritative reference and input builder live on the scoring server;
editing this copy changes nothing except your own understanding.
"""

import jax, jax.numpy as jnp
import numpy as np

NUM_KEYS = 100000
VAL_DIM = 16
BATCH = 16384


def setup_inputs(seed: int = 0) -> dict:
    key = jax.random.key(seed)
    k1, k2 = jax.random.split(key)
    # inputs: pre-resolved StringLookup indices in [0, NUM_KEYS]; index 0 is the PAD/mask row.
    indices = jax.random.randint(k1, (BATCH,), 0, NUM_KEYS + 1)
    # index_to_vals embedding table: constant-initialized int64 payload array,
    # (NUM_KEYS + 1) rows (row 0 = mask row, zeros because mask_zero=True / PAD).
    table = jax.random.randint(k2, (NUM_KEYS + 1, VAL_DIM), 0, 1000)
    table = table.at[0].set(0)
    return {"inputs": indices, "table": table}


def reference(inputs, table):
    # HashTableWithArray.call: key_to_index (StringLookup, modeled as pre-resolved
    # integer indices) followed by a non-trainable Embedding gather.
    return jnp.take(table, inputs, axis=0)

if __name__ == "__main__":
    import jax
    _d = setup_inputs()
    print(jax.jit(kernel)(*tuple(_d.values())))

</pallas_src>

<mosaic_0001>
#map = affine_map<(d0, d1) -> (0)>
#map1 = affine_map<(d0, d1) -> (0, 0)>
module attributes {stable_mosaic.version = 14 : i64} {
  func.func @gather_kernel(%arg0: i32, %arg1: i32, %arg2: memref<16384xi32, #tpu.memory_space<hbm>>, %arg3: memref<1600016xi32, #tpu.memory_space<hbm>>, %arg4: memref<16x16384xi32, #tpu.memory_space<hbm>>, %arg5: memref<8192xi32, #tpu.memory_space<vmem>>, %arg6: memref<8192xi32, #tpu.memory_space<vmem>>, %arg7: memref<!tpu.dma_semaphore, #tpu.memory_space<semaphore_mem>>) attributes {dimension_semantics = [#tpu.dimension_semantics<core_parallel>, #tpu.dimension_semantics<subcore_parallel>], iteration_bounds = array<i64: 2, 16>, scalar_prefetch = 0 : i64, scratch_operands = 3 : i64, tpu.core_type = #tpu.core_type<sc_vector_subcore>, window_params = [{transform_indices = #map}, {transform_indices = #map}, {transform_indices = #map1}]} {
    %mul3A = arith.constant 2 : i32
    %mul3A_0 = arith.muli %arg1, %mul3A : i32
    %add3A = arith.addi %mul3A_0, %arg0 : i32
    %rem3A = arith.constant 16 : i32
    %rem3A_1 = arith.remsi %add3A, %rem3A : i32
    %div3A = arith.constant 16 : i32
    %div3A_2 = arith.divsi %add3A, %div3A : i32
    %mul3A_3 = arith.constant 8192 : i32
    %mul3A_4 = arith.muli %div3A_2, %mul3A_3 : i32
    "tpu.region"() ({
      %run_scoped3A = tpu.sem_alloc : memref<!tpu.dma_semaphore, #tpu.memory_space<semaphore_mem>>
      %dma_start3A_58 = tpu.memref_slice %arg2[%mul3A_4] : memref<16384xi32, #tpu.memory_space<hbm>> -> memref<8192xi32, #tpu.memory_space<hbm>>
      %dma_start3A_59 = tpu.memref_slice %arg2[%mul3A_4] : memref<16384xi32, #tpu.memory_space<hbm>> -> memref<8192xi32, #tpu.memory_space<hbm>>
      tpu.enqueue_dma source(%dma_start3A_59 : memref<8192xi32, #tpu.memory_space<hbm>>) target(%arg5 : memref<8192xi32, #tpu.memory_space<vmem>>) target_semaphore(%run_scoped3A : memref<!tpu.dma_semaphore, #tpu.memory_space<semaphore_mem>>)
      %dma_wait3A_60 = tpu.memref_slice %arg2[%mul3A_4] : memref<16384xi32, #tpu.memory_space<hbm>> -> memref<8192xi32, #tpu.memory_space<hbm>>
      %dma_wait3A_61 = tpu.memref_slice %arg2[%mul3A_4] : memref<16384xi32, #tpu.memory_space<hbm>> -> memref<8192xi32, #tpu.memory_space<hbm>>
      tpu.wait_dma2 semaphore(%run_scoped3A : memref<!tpu.dma_semaphore, #tpu.memory_space<semaphore_mem>>) src(%dma_wait3A_61 : memref<8192xi32, #tpu.memory_space<hbm>>) dst(%arg5 : memref<8192xi32, #tpu.memory_space<vmem>>)
      tpu.yield
    }) : () -> ()
    %mul3A_5 = arith.constant 100001 : i32
    %mul3A_6 = arith.muli %rem3A_1, %mul3A_5 : i32
    %scan3A = arith.constant 0 : i32
    %scan3A_7 = arith.constant 0 : i32
    %scan3A_8 = arith.constant 512 : i32
    %scan3A_9 = arith.addi %scan3A_7, %scan3A_8 : i32
    %scan3A_10 = arith.constant 16 : i32
    scf.for %scan3A_58 = %scan3A_7 to %scan3A_9 step %scan3A_10  : i32 {
      %mul3A_59 = arith.constant 16 : i32
      %mul3A_60 = arith.muli %scan3A_58, %mul3A_59 : i32
      %get3A = arith.index_cast %mul3A_60 : i32 to index
      %get3A_61 = tpu.vector_load %arg5[%get3A] {strides = array<i32>} : memref<8192xi32, #tpu.memory_space<vmem>>, vector<16xi32>,
      %get3A_62 = vector.shape_cast %get3A_61 : vector<16xi32> to vector<16xi32>
      %add3A_63 = vector.broadcast %mul3A_6 : i32 to vector<16xi32>
      %add3A_64 = arith.addi %get3A_62, %add3A_63 : vector<16xi32>
      %swap3A = arith.index_cast %mul3A_60 : i32 to index
      %swap3A_65 = tpu.vector_load %arg5[%swap3A] {strides = array<i32>} : memref<8192xi32, #tpu.memory_space<vmem>>, vector<16xi32>,
      %swap3A_66 = vector.shape_cast %swap3A_65 : vector<16xi32> to vector<16xi32>
      %swap3A_67 = vector.shape_cast %add3A_64 : vector<16xi32> to vector<16xi32>
      tpu.vector_store %arg5[%swap3A], %swap3A_67 {strides = array<i32>} : memref<8192xi32, #tpu.memory_space<vmem>>, vector<16xi32>,
      %scan3A_68 = arith.constant 1 : i32
      %scan3A_69 = arith.addi %scan3A_58, %scan3A_68 : i32
      %mul3A_70 = arith.constant 16 : i32
      %mul3A_71 = arith.muli %scan3A_69, %mul3A_70 : i32
      %get3A_72 = arith.index_cast %mul3A_71 : i32 to index
      %get3A_73 = tpu.vector_load %arg5[%get3A_72] {strides = array<i32>} : memref<8192xi32, #tpu.memory_space<vmem>>, vector<16xi32>,
      %get3A_74 = vector.shape_cast %get3A_73 : vector<16xi32> to vector<16xi32>
      %add3A_75 = vector.broadcast %mul3A_6 : i32 to vector<16xi32>
      %add3A_76 = arith.addi %get3A_74, %add3A_75 : vector<16xi32>
      %swap3A_77 = arith.index_cast %mul3A_71 : i32 to index
      %swap3A_78 = tpu.vector_load %arg5[%swap3A_77] {strides = array<i32>} : memref<8192xi32, #tpu.memory_space<vmem>>, vector<16xi32>,
      %swap3A_79 = vector.shape_cast %swap3A_78 : vector<16xi32> to vector<16xi32>
      %swap3A_80 = vector.shape_cast %add3A_76 : vector<16xi32> to vector<16xi32>
      tpu.vector_store %arg5[%swap3A_77], %swap3A_80 {strides = array<i32>} : memref<8192xi32, #tpu.memory_space<vmem>>, vector<16xi32>,
      %scan3A_81 = arith.constant 2 : i32
      %scan3A_82 = arith.addi %scan3A_58, %scan3A_81 : i32
      %mul3A_83 = arith.constant 16 : i32
      %mul3A_84 = arith.muli %scan3A_82, %mul3A_83 : i32
      %get3A_85 = arith.index_cast %mul3A_84 : i32 to index
      %get3A_86 = tpu.vector_load %arg5[%get3A_85] {strides = array<i32>} : memref<8192xi32, #tpu.memory_space<vmem>>, vector<16xi32>,
      %get3A_87 = vector.shape_cast %get3A_86 : vector<16xi32> to vector<16xi32>
      %add3A_88 = vector.broadcast %mul3A_6 : i32 to vector<16xi32>
      %add3A_89 = arith.addi %get3A_87, %add3A_88 : vector<16xi32>
      %swap3A_90 = arith.index_cast %mul3A_84 : i32 to index
      %swap3A_91 = tpu.vector_load %arg5[%swap3A_90] {strides = array<i32>} : memref<8192xi32, #tpu.memory_space<vmem>>, vector<16xi32>,
      %swap3A_92 = vector.shape_cast %swap3A_91 : vector<16xi32> to vector<16xi32>
      %swap3A_93 = vector.shape_cast %add3A_89 : vector<16xi32> to vector<16xi32>
      tpu.vector_store %arg5[%swap3A_90], %swap3A_93 {strides = array<i32>} : memref<8192xi32, #tpu.memory_space<vmem>>, vector<16xi32>,
      %scan3A_94 = arith.constant 3 : i32
      %scan3A_95 = arith.addi %scan3A_58, %scan3A_94 : i32
      %mul3A_96 = arith.constant 16 : i32
      %mul3A_97 = arith.muli %scan3A_95, %mul3A_96 : i32
      %get3A_98 = arith.index_cast %mul3A_97 : i32 to index
      %get3A_99 = tpu.vector_load %arg5[%get3A_98] {strides = array<i32>} : memref<8192xi32, #tpu.memory_space<vmem>>, vector<16xi32>,
      %get3A_100 = vector.shape_cast %get3A_99 : vector<16xi32> to vector<16xi32>
      %add3A_101 = vector.broadcast %mul3A_6 : i32 to vector<16xi32>
      %add3A_102 = arith.addi %get3A_100, %add3A_101 : vector<16xi32>
      %swap3A_103 = arith.index_cast %mul3A_97 : i32 to index
      %swap3A_104 = tpu.vector_load %arg5[%swap3A_103] {strides = array<i32>} : memref<8192xi32, #tpu.memory_space<vmem>>, vector<16xi32>,
      %swap3A_105 = vector.shape_cast %swap3A_104 : vector<16xi32> to vector<16xi32>
      %swap3A_106 = vector.shape_cast %add3A_102 : vector<16xi32> to vector<16xi32>
      tpu.vector_store %arg5[%swap3A_103], %swap3A_106 {strides = array<i32>} : memref<8192xi32, #tpu.memory_space<vmem>>, vector<16xi32>,
      %scan3A_107 = arith.constant 4 : i32
      %scan3A_108 = arith.addi %scan3A_58, %scan3A_107 : i32
      %mul3A_109 = arith.constant 16 : i32
      %mul3A_110 = arith.muli %scan3A_108, %mul3A_109 : i32
      %get3A_111 = arith.index_cast %mul3A_110 : i32 to index
      %get3A_112 = tpu.vector_load %arg5[%get3A_111] {strides = array<i32>} : memref<8192xi32, #tpu.memory_space<vmem>>, vector<16xi32>,
      %get3A_113 = vector.shape_cast %get3A_112 : vector<16xi32> to vector<16xi32>
      %add3A_114 = vector.broadcast %mul3A_6 : i32 to vector<16xi32>
      %add3A_115 = arith.addi %get3A_113, %add3A_114 : vector<16xi32>
      %swap3A_116 = arith.index_cast %mul3A_110 : i32 to index
      %swap3A_117 = tpu.vector_load %arg5[%swap3A_116] {strides = array<i32>} : memref<8192xi32, #tpu.memory_space<vmem>>, vector<16xi32>,
      %swap3A_118 = vector.shape_cast %swap3A_117 : vector<16xi32> to vector<16xi32>
      %swap3A_119 = vector.shape_cast %add3A_115 : vector<16xi32> to vector<16xi32>
      tpu.vector_store %arg5[%swap3A_116], %swap3A_119 {strides = array<i32>} : memref<8192xi32, #tpu.memory_space<vmem>>, vector<16xi32>,
      %scan3A_120 = arith.constant 5 : i32
      %scan3A_121 = arith.addi %scan3A_58, %scan3A_120 : i32
      %mul3A_122 = arith.constant 16 : i32
      %mul3A_123 = arith.muli %scan3A_121, %mul3A_122 : i32
      %get3A_124 = arith.index_cast %mul3A_123 : i32 to index
      %get3A_125 = tpu.vector_load %arg5[%get3A_124] {strides = array<i32>} : memref<8192xi32, #tpu.memory_space<vmem>>, vector<16xi32>,
      %get3A_126 = vector.shape_cast %get3A_125 : vector<16xi32> to vector<16xi32>
      %add3A_127 = vector.broadcast %mul3A_6 : i32 to vector<16xi32>
      %add3A_128 = arith.addi %get3A_126, %add3A_127 : vector<16xi32>
      %swap3A_129 = arith.index_cast %mul3A_123 : i32 to index
      %swap3A_130 = tpu.vector_load %arg5[%swap3A_129] {strides = array<i32>} : memref<8192xi32, #tpu.memory_space<vmem>>, vector<16xi32>,
      %swap3A_131 = vector.shape_cast %swap3A_130 : vector<16xi32> to vector<16xi32>
      %swap3A_132 = vector.shape_cast %add3A_128 : vector<16xi32> to vector<16xi32>
      tpu.vector_store %arg5[%swap3A_129], %swap3A_132 {strides = array<i32>} : memref<8192xi32, #tpu.memory_space<vmem>>, vector<16xi32>,
      %scan3A_133 = arith.constant 6 : i32
      %scan3A_134 = arith.addi %scan3A_58, %scan3A_133 : i32
      %mul3A_135 = arith.constant 16 : i32
      %mul3A_136 = arith.muli %scan3A_134, %mul3A_135 : i32
      %get3A_137 = arith.index_cast %mul3A_136 : i32 to index
      %get3A_138 = tpu.vector_load %arg5[%get3A_137] {strides = array<i32>} : memref<8192xi32, #tpu.memory_space<vmem>>, vector<16xi32>,
      %get3A_139 = vector.shape_cast %get3A_138 : vector<16xi32> to vector<16xi32>
      %add3A_140 = vector.broadcast %mul3A_6 : i32 to vector<16xi32>
      %add3A_141 = arith.addi %get3A_139, %add3A_140 : vector<16xi32>
      %swap3A_142 = arith.index_cast %mul3A_136 : i32 to index
      %swap3A_143 = tpu.vector_load %arg5[%swap3A_142] {strides = array<i32>} : memref<8192xi32, #tpu.memory_space<vmem>>, vector<16xi32>,
      %swap3A_144 = vector.shape_cast %swap3A_143 : vector<16xi32> to vector<16xi32>
      %swap3A_145 = vector.shape_cast %add3A_141 : vector<16xi32> to vector<16xi32>
      tpu.vector_store %arg5[%swap3A_142], %swap3A_145 {strides = array<i32>} : memref<8192xi32, #tpu.memory_space<vmem>>, vector<16xi32>,
      %scan3A_146 = arith.constant 7 : i32
      %scan3A_147 = arith.addi %scan3A_58, %scan3A_146 : i32
      %mul3A_148 = arith.constant 16 : i32
      %mul3A_149 = arith.muli %scan3A_147, %mul3A_148 : i32
      %get3A_150 = arith.index_cast %mul3A_149 : i32 to index
      %get3A_151 = tpu.vector_load %arg5[%get3A_150] {strides = array<i32>} : memref<8192xi32, #tpu.memory_space<vmem>>, vector<16xi32>,
      %get3A_152 = vector.shape_cast %get3A_151 : vector<16xi32> to vector<16xi32>
      %add3A_153 = vector.broadcast %mul3A_6 : i32 to vector<16xi32>
      %add3A_154 = arith.addi %get3A_152, %add3A_153 : vector<16xi32>
      %swap3A_155 = arith.index_cast %mul3A_149 : i32 to index
      %swap3A_156 = tpu.vector_load %arg5[%swap3A_155] {strides = array<i32>} : memref<8192xi32, #tpu.memory_space<vmem>>, vector<16xi32>,
      %swap3A_157 = vector.shape_cast %swap3A_156 : vector<16xi32> to vector<16xi32>
      %swap3A_158 = vector.shape_cast %add3A_154 : vector<16xi32> to vector<16xi32>
      tpu.vector_store %arg5[%swap3A_155], %swap3A_158 {strides = array<i32>} : memref<8192xi32, #tpu.memory_space<vmem>>, vector<16xi32>,
      %scan3A_159 = arith.constant 8 : i32
      %scan3A_160 = arith.addi %scan3A_58, %scan3A_159 : i32
      %mul3A_161 = arith.constant 16 : i32
      %mul3A_162 = arith.muli %scan3A_160, %mul3A_161 : i32
      %get3A_163 = arith.index_cast %mul3A_162 : i32 to index
      %get3A_164 = tpu.vector_load %arg5[%get3A_163] {strides = array<i32>} : memref<8192xi32, #tpu.memory_space<vmem>>, vector<16xi32>,
      %get3A_165 = vector.shape_cast %get3A_164 : vector<16xi32> to vector<16xi32>
      %add3A_166 = vector.broadcast %mul3A_6 : i32 to vector<16xi32>
      %add3A_167 = arith.addi %get3A_165, %add3A_166 : vector<16xi32>
      %swap3A_168 = arith.index_cast %mul3A_162 : i32 to index
      %swap3A_169 = tpu.vector_load %arg5[%swap3A_168] {strides = array<i32>} : memref<8192xi32, #tpu.memory_space<vmem>>, vector<16xi32>,
      %swap3A_170 = vector.shape_cast %swap3A_169 : vector<16xi32> to vector<16xi32>
      %swap3A_171 = vector.shape_cast %add3A_167 : vector<16xi32> to vector<16xi32>
      tpu.vector_store %arg5[%swap3A_168], %swap3A_171 {strides = array<i32>} : memref<8192xi32, #tpu.memory_space<vmem>>, vector<16xi32>,
      %scan3A_172 = arith.constant 9 : i32
      %scan3A_173 = arith.addi %scan3A_58, %scan3A_172 : i32
      %mul3A_174 = arith.constant 16 : i32
      %mul3A_175 = arith.muli %scan3A_173, %mul3A_174 : i32
      %get3A_176 = arith.index_cast %mul3A_175 : i32 to index
      %get3A_177 = tpu.vector_load %arg5[%get3A_176] {strides = array<i32>} : memref<8192xi32, #tpu.memory_space<vmem>>, vector<16xi32>,
      %get3A_178 = vector.shape_cast %get3A_177 : vector<16xi32> to vector<16xi32>
      %add3A_179 = vector.broadcast %mul3A_6 : i32 to vector<16xi32>
      %add3A_180 = arith.addi %get3A_178, %add3A_179 : vector<16xi32>
      %swap3A_181 = arith.index_cast %mul3A_175 : i32 to index
      %swap3A_182 = tpu.vector_load %arg5[%swap3A_181] {strides = array<i32>} : memref<8192xi32, #tpu.memory_space<vmem>>, vector<16xi32>,
      %swap3A_183 = vector.shape_cast %swap3A_182 : vector<16xi32> to vector<16xi32>
      %swap3A_184 = vector.shape_cast %add3A_180 : vector<16xi32> to vector<16xi32>
      tpu.vector_store %arg5[%swap3A_181], %swap3A_184 {strides = array<i32>} : memref<8192xi32, #tpu.memory_space<vmem>>, vector<16xi32>,
      %scan3A_185 = arith.constant 10 : i32
      %scan3A_186 = arith.addi %scan3A_58, %scan3A_185 : i32
      %mul3A_187 = arith.constant 16 : i32
      %mul3A_188 = arith.muli %scan3A_186, %mul3A_187 : i32
      %get3A_189 = arith.index_cast %mul3A_188 : i32 to index
      %get3A_190 = tpu.vector_load %arg5[%get3A_189] {strides = array<i32>} : memref<8192xi32, #tpu.memory_space<vmem>>, vector<16xi32>,
      %get3A_191 = vector.shape_cast %get3A_190 : vector<16xi32> to vector<16xi32>
      %add3A_192 = vector.broadcast %mul3A_6 : i32 to vector<16xi32>
      %add3A_193 = arith.addi %get3A_191, %add3A_192 : vector<16xi32>
      %swap3A_194 = arith.index_cast %mul3A_188 : i32 to index
      %swap3A_195 = tpu.vector_load %arg5[%swap3A_194] {strides = array<i32>} : memref<8192xi32, #tpu.memory_space<vmem>>, vector<16xi32>,
      %swap3A_196 = vector.shape_cast %swap3A_195 : vector<16xi32> to vector<16xi32>
      %swap3A_197 = vector.shape_cast %add3A_193 : vector<16xi32> to vector<16xi32>
      tpu.vector_store %arg5[%swap3A_194], %swap3A_197 {strides = array<i32>} : memref<8192xi32, #tpu.memory_space<vmem>>, vector<16xi32>,
      %scan3A_198 = arith.constant 11 : i32
      %scan3A_199 = arith.addi %scan3A_58, %scan3A_198 : i32
      %mul3A_200 = arith.constant 16 : i32
      %mul3A_201 = arith.muli %scan3A_199, %mul3A_200 : i32
      %get3A_202 = arith.index_cast %mul3A_201 : i32 to index
      %get3A_203 = tpu.vector_load %arg5[%get3A_202] {strides = array<i32>} : memref<8192xi32, #tpu.memory_space<vmem>>, vector<16xi32>,
      %get3A_204 = vector.shape_cast %get3A_203 : vector<16xi32> to vector<16xi32>
      %add3A_205 = vector.broadcast %mul3A_6 : i32 to vector<16xi32>
      %add3A_206 = arith.addi %get3A_204, %add3A_205 : vector<16xi32>
      %swap3A_207 = arith.index_cast %mul3A_201 : i32 to index
      %swap3A_208 = tpu.vector_load %arg5[%swap3A_207] {strides = array<i32>} : memref<8192xi32, #tpu.memory_space<vmem>>, vector<16xi32>,
      %swap3A_209 = vector.shape_cast %swap3A_208 : vector<16xi32> to vector<16xi32>
      %swap3A_210 = vector.shape_cast %add3A_206 : vector<16xi32> to vector<16xi32>
      tpu.vector_store %arg5[%swap3A_207], %swap3A_210 {strides = array<i32>} : memref<8192xi32, #tpu.memory_space<vmem>>, vector<16xi32>,
      %scan3A_211 = arith.constant 12 : i32
      %scan3A_212 = arith.addi %scan3A_58, %scan3A_211 : i32
      %mul3A_213 = arith.constant 16 : i32
      %mul3A_214 = arith.muli %scan3A_212, %mul3A_213 : i32
      %get3A_215 = arith.index_cast %mul3A_214 : i32 to index
      %get3A_216 = tpu.vector_load %arg5[%get3A_215] {strides = array<i32>} : memref<8192xi32, #tpu.memory_space<vmem>>, vector<16xi32>,
      %get3A_217 = vector.shape_cast %get3A_216 : vector<16xi32> to vector<16xi32>
      %add3A_218 = vector.broadcast %mul3A_6 : i32 to vector<16xi32>
      %add3A_219 = arith.addi %get3A_217, %add3A_218 : vector<16xi32>
      %swap3A_220 = arith.index_cast %mul3A_214 : i32 to index
      %swap3A_221 = tpu.vector_load %arg5[%swap3A_220] {strides = array<i32>} : memref<8192xi32, #tpu.memory_space<vmem>>, vector<16xi32>,
      %swap3A_222 = vector.shape_cast %swap3A_221 : vector<16xi32> to vector<16xi32>
      %swap3A_223 = vector.shape_cast %add3A_219 : vector<16xi32> to vector<16xi32>
      tpu.vector_store %arg5[%swap3A_220], %swap3A_223 {strides = array<i32>} : memref<8192xi32, #tpu.memory_space<vmem>>, vector<16xi32>,
      %scan3A_224 = arith.constant 13 : i32
      %scan3A_225 = arith.addi %scan3A_58, %scan3A_224 : i32
      %mul3A_226 = arith.constant 16 : i32
      %mul3A_227 = arith.muli %scan3A_225, %mul3A_226 : i32
      %get3A_228 = arith.index_cast %mul3A_227 : i32 to index
      %get3A_229 = tpu.vector_load %arg5[%get3A_228] {strides = array<i32>} : memref<8192xi32, #tpu.memory_space<vmem>>, vector<16xi32>,
      %get3A_230 = vector.shape_cast %get3A_229 : vector<16xi32> to vector<16xi32>
      %add3A_231 = vector.broadcast %mul3A_6 : i32 to vector<16xi32>
      %add3A_232 = arith.addi %get3A_230, %add3A_231 : vector<16xi32>
      %swap3A_233 = arith.index_cast %mul3A_227 : i32 to index
      %swap3A_234 = tpu.vector_load %arg5[%swap3A_233] {strides = array<i32>} : memref<8192xi32, #tpu.memory_space<vmem>>, vector<16xi32>,
      %swap3A_235 = vector.shape_cast %swap3A_234 : vector<16xi32> to vector<16xi32>
      %swap3A_236 = vector.shape_cast %add3A_232 : vector<16xi32> to vector<16xi32>
      tpu.vector_store %arg5[%swap3A_233], %swap3A_236 {strides = array<i32>} : memref<8192xi32, #tpu.memory_space<vmem>>, vector<16xi32>,
      %scan3A_237 = arith.constant 14 : i32
      %scan3A_238 = arith.addi %scan3A_58, %scan3A_237 : i32
      %mul3A_239 = arith.constant 16 : i32
      %mul3A_240 = arith.muli %scan3A_238, %mul3A_239 : i32
      %get3A_241 = arith.index_cast %mul3A_240 : i32 to index
      %get3A_242 = tpu.vector_load %arg5[%get3A_241] {strides = array<i32>} : memref<8192xi32, #tpu.memory_space<vmem>>, vector<16xi32>,
      %get3A_243 = vector.shape_cast %get3A_242 : vector<16xi32> to vector<16xi32>
      %add3A_244 = vector.broadcast %mul3A_6 : i32 to vector<16xi32>
      %add3A_245 = arith.addi %get3A_243, %add3A_244 : vector<16xi32>
      %swap3A_246 = arith.index_cast %mul3A_240 : i32 to index
      %swap3A_247 = tpu.vector_load %arg5[%swap3A_246] {strides = array<i32>} : memref<8192xi32, #tpu.memory_space<vmem>>, vector<16xi32>,
      %swap3A_248 = vector.shape_cast %swap3A_247 : vector<16xi32> to vector<16xi32>
      %swap3A_249 = vector.shape_cast %add3A_245 : vector<16xi32> to vector<16xi32>
      tpu.vector_store %arg5[%swap3A_246], %swap3A_249 {strides = array<i32>} : memref<8192xi32, #tpu.memory_space<vmem>>, vector<16xi32>,
      %scan3A_250 = arith.constant 15 : i32
      %scan3A_251 = arith.addi %scan3A_58, %scan3A_250 : i32
      %mul3A_252 = arith.constant 16 : i32
      %mul3A_253 = arith.muli %scan3A_251, %mul3A_252 : i32
      %get3A_254 = arith.index_cast %mul3A_253 : i32 to index
      %get3A_255 = tpu.vector_load %arg5[%get3A_254] {strides = array<i32>} : memref<8192xi32, #tpu.memory_space<vmem>>, vector<16xi32>,
      %get3A_256 = vector.shape_cast %get3A_255 : vector<16xi32> to vector<16xi32>
      %add3A_257 = vector.broadcast %mul3A_6 : i32 to vector<16xi32>
      %add3A_258 = arith.addi %get3A_256, %add3A_257 : vector<16xi32>
      %swap3A_259 = arith.index_cast %mul3A_253 : i32 to index
      %swap3A_260 = tpu.vector_load %arg5[%swap3A_259] {strides = array<i32>} : memref<8192xi32, #tpu.memory_space<vmem>>, vector<16xi32>,
      %swap3A_261 = vector.shape_cast %swap3A_260 : vector<16xi32> to vector<16xi32>
      %swap3A_262 = vector.shape_cast %add3A_258 : vector<16xi32> to vector<16xi32>
      tpu.vector_store %arg5[%swap3A_259], %swap3A_262 {strides = array<i32>} : memref<8192xi32, #tpu.memory_space<vmem>>, vector<16xi32>,
    }
    %scan3A_11 = arith.constant 512 : i32
    %dma_start3A = arith.constant 0 : i32
    %dma_start3A_12 = tpu.memref_slice %arg6[%dma_start3A] : memref<8192xi32, #tpu.memory_space<vmem>> -> memref<2048xi32, #tpu.memory_space<vmem>>
    %dma_start3A_13 = arith.constant 0 : i32
    %dma_start3A_14 = tpu.memref_slice %arg5[%dma_start3A_13] : memref<8192xi32, #tpu.memory_space<vmem>> -> memref<2048xi32, #tpu.memory_space<vmem>>
    %dma_start3A_15 = arith.constant 0 : i32
    %dma_start3A_16 = tpu.memref_slice %arg3[%dma_start3A_15] : memref<1600016xi32, #tpu.memory_space<hbm>> -> memref<1600016xi32, #tpu.memory_space<hbm>>
    tpu.enqueue_indirect_dma source(%dma_start3A_16 : memref<1600016xi32, #tpu.memory_space<hbm>>) target(%dma_start3A_12 : memref<2048xi32, #tpu.memory_space<vmem>>) offsets(%dma_start3A_14 : memref<2048xi32, #tpu.memory_space<vmem>>) semaphore(%arg7 : memref<!tpu.dma_semaphore, #tpu.memory_space<semaphore_mem>>)
    %dma_start3A_17 = arith.constant 2048 : i32
    %dma_start3A_18 = tpu.memref_slice %arg6[%dma_start3A_17] : memref<8192xi32, #tpu.memory_space<vmem>> -> memref<2048xi32, #tpu.memory_space<vmem>>
    %dma_start3A_19 = arith.constant 2048 : i32
    %dma_start3A_20 = tpu.memref_slice %arg5[%dma_start3A_19] : memref<8192xi32, #tpu.memory_space<vmem>> -> memref<2048xi32, #tpu.memory_space<vmem>>
    %dma_start3A_21 = arith.constant 0 : i32
    %dma_start3A_22 = tpu.memref_slice %arg3[%dma_start3A_21] : memref<1600016xi32, #tpu.memory_space<hbm>> -> memref<1600016xi32, #tpu.memory_space<hbm>>
    tpu.enqueue_indirect_dma source(%dma_start3A_22 : memref<1600016xi32, #tpu.memory_space<hbm>>) target(%dma_start3A_18 : memref<2048xi32, #tpu.memory_space<vmem>>) offsets(%dma_start3A_20 : memref<2048xi32, #tpu.memory_space<vmem>>) semaphore(%arg7 : memref<!tpu.dma_semaphore, #tpu.memory_space<semaphore_mem>>)
    %dma_start3A_23 = arith.constant 4096 : i32
    %dma_start3A_24 = tpu.memref_slice %arg6[%dma_start3A_23] : memref<8192xi32, #tpu.memory_space<vmem>> -> memref<2048xi32, #tpu.memory_space<vmem>>
    %dma_start3A_25 = arith.constant 4096 : i32
    %dma_start3A_26 = tpu.memref_slice %arg5[%dma_start3A_25] : memref<8192xi32, #tpu.memory_space<vmem>> -> memref<2048xi32, #tpu.memory_space<vmem>>
    %dma_start3A_27 = arith.constant 0 : i32
    %dma_start3A_28 = tpu.memref_slice %arg3[%dma_start3A_27] : memref<1600016xi32, #tpu.memory_space<hbm>> -> memref<1600016xi32, #tpu.memory_space<hbm>>
    tpu.enqueue_indirect_dma source(%dma_start3A_28 : memref<1600016xi32, #tpu.memory_space<hbm>>) target(%dma_start3A_24 : memref<2048xi32, #tpu.memory_space<vmem>>) offsets(%dma_start3A_26 : memref<2048xi32, #tpu.memory_space<vmem>>) semaphore(%arg7 : memref<!tpu.dma_semaphore, #tpu.memory_space<semaphore_mem>>)
    %dma_start3A_29 = arith.constant 6144 : i32
    %dma_start3A_30 = tpu.memref_slice %arg6[%dma_start3A_29] : memref<8192xi32, #tpu.memory_space<vmem>> -> memref<2048xi32, #tpu.memory_space<vmem>>
    %dma_start3A_31 = arith.constant 6144 : i32
    %dma_start3A_32 = tpu.memref_slice %arg5[%dma_start3A_31] : memref<8192xi32, #tpu.memory_space<vmem>> -> memref<2048xi32, #tpu.memory_space<vmem>>
    %dma_start3A_33 = arith.constant 0 : i32
    %dma_start3A_34 = tpu.memref_slice %arg3[%dma_start3A_33] : memref<1600016xi32, #tpu.memory_space<hbm>> -> memref<1600016xi32, #tpu.memory_space<hbm>>
    tpu.enqueue_indirect_dma source(%dma_start3A_34 : memref<1600016xi32, #tpu.memory_space<hbm>>) target(%dma_start3A_30 : memref<2048xi32, #tpu.memory_space<vmem>>) offsets(%dma_start3A_32 : memref<2048xi32, #tpu.memory_space<vmem>>) semaphore(%arg7 : memref<!tpu.dma_semaphore, #tpu.memory_space<semaphore_mem>>)
    %dma_wait3A = arith.constant 0 : i32
    %dma_wait3A_35 = tpu.memref_slice %arg6[%dma_wait3A] : memref<8192xi32, #tpu.memory_space<vmem>> -> memref<2048xi32, #tpu.memory_space<vmem>>
    %dma_wait3A_36 = arith.constant 0 : i32
    %dma_wait3A_37 = tpu.memref_slice %arg5[%dma_wait3A_36] : memref<8192xi32, #tpu.memory_space<vmem>> -> memref<2048xi32, #tpu.memory_space<vmem>>
    %dma_wait3A_38 = arith.constant 0 : i32
    %dma_wait3A_39 = tpu.memref_slice %arg3[%dma_wait3A_38] : memref<1600016xi32, #tpu.memory_space<hbm>> -> memref<1600016xi32, #tpu.memory_space<hbm>>
    tpu.wait_indirect_dma semaphore(%arg7 : memref<!tpu.dma_semaphore, #tpu.memory_space<semaphore_mem>>) src(%dma_wait3A_39 : memref<1600016xi32, #tpu.memory_space<hbm>>) dst(%dma_wait3A_35 : memref<2048xi32, #tpu.memory_space<vmem>>)
    %dma_wait3A_40 = arith.constant 2048 : i32
    %dma_wait3A_41 = tpu.memref_slice %arg6[%dma_wait3A_40] : memref<8192xi32, #tpu.memory_space<vmem>> -> memref<2048xi32, #tpu.memory_space<vmem>>
    %dma_wait3A_42 = arith.constant 2048 : i32
    %dma_wait3A_43 = tpu.memref_slice %arg5[%dma_wait3A_42] : memref<8192xi32, #tpu.memory_space<vmem>> -> memref<2048xi32, #tpu.memory_space<vmem>>
    %dma_wait3A_44 = arith.constant 0 : i32
    %dma_wait3A_45 = tpu.memref_slice %arg3[%dma_wait3A_44] : memref<1600016xi32, #tpu.memory_space<hbm>> -> memref<1600016xi32, #tpu.memory_space<hbm>>
    tpu.wait_indirect_dma semaphore(%arg7 : memref<!tpu.dma_semaphore, #tpu.memory_space<semaphore_mem>>) src(%dma_wait3A_45 : memref<1600016xi32, #tpu.memory_space<hbm>>) dst(%dma_wait3A_41 : memref<2048xi32, #tpu.memory_space<vmem>>)
    %dma_wait3A_46 = arith.constant 4096 : i32
    %dma_wait3A_47 = tpu.memref_slice %arg6[%dma_wait3A_46] : memref<8192xi32, #tpu.memory_space<vmem>> -> memref<2048xi32, #tpu.memory_space<vmem>>
    %dma_wait3A_48 = arith.constant 4096 : i32
    %dma_wait3A_49 = tpu.memref_slice %arg5[%dma_wait3A_48] : memref<8192xi32, #tpu.memory_space<vmem>> -> memref<2048xi32, #tpu.memory_space<vmem>>
    %dma_wait3A_50 = arith.constant 0 : i32
    %dma_wait3A_51 = tpu.memref_slice %arg3[%dma_wait3A_50] : memref<1600016xi32, #tpu.memory_space<hbm>> -> memref<1600016xi32, #tpu.memory_space<hbm>>
    tpu.wait_indirect_dma semaphore(%arg7 : memref<!tpu.dma_semaphore, #tpu.memory_space<semaphore_mem>>) src(%dma_wait3A_51 : memref<1600016xi32, #tpu.memory_space<hbm>>) dst(%dma_wait3A_47 : memref<2048xi32, #tpu.memory_space<vmem>>)
    %dma_wait3A_52 = arith.constant 6144 : i32
    %dma_wait3A_53 = tpu.memref_slice %arg6[%dma_wait3A_52] : memref<8192xi32, #tpu.memory_space<vmem>> -> memref<2048xi32, #tpu.memory_space<vmem>>
    %dma_wait3A_54 = arith.constant 6144 : i32
    %dma_wait3A_55 = tpu.memref_slice %arg5[%dma_wait3A_54] : memref<8192xi32, #tpu.memory_space<vmem>> -> memref<2048xi32, #tpu.memory_space<vmem>>
    %dma_wait3A_56 = arith.constant 0 : i32
    %dma_wait3A_57 = tpu.memref_slice %arg3[%dma_wait3A_56] : memref<1600016xi32, #tpu.memory_space<hbm>> -> memref<1600016xi32, #tpu.memory_space<hbm>>
    tpu.wait_indirect_dma semaphore(%arg7 : memref<!tpu.dma_semaphore, #tpu.memory_space<semaphore_mem>>) src(%dma_wait3A_57 : memref<1600016xi32, #tpu.memory_space<hbm>>) dst(%dma_wait3A_53 : memref<2048xi32, #tpu.memory_space<vmem>>)
    "tpu.region"() ({
      %run_scoped3A = tpu.sem_alloc : memref<!tpu.dma_semaphore, #tpu.memory_space<semaphore_mem>>
      %dma_start3A_58 = tpu.memref_slice %arg4[%rem3A_1, %mul3A_4] : memref<16x16384xi32, #tpu.memory_space<hbm>> -> memref<1x8192xi32, #tpu.memory_space<hbm>>
      %dma_start3A_59 = tpu.memref_squeeze %dma_start3A_58 : memref<1x8192xi32, #tpu.memory_space<hbm>> -> memref<8192xi32, #tpu.memory_space<hbm>>
      %dma_start3A_60 = tpu.memref_slice %arg4[%rem3A_1, %mul3A_4] : memref<16x16384xi32, #tpu.memory_space<hbm>> -> memref<1x8192xi32, #tpu.memory_space<hbm>>
      %dma_start3A_61 = tpu.memref_squeeze %dma_start3A_60 : memref<1x8192xi32, #tpu.memory_space<hbm>> -> memref<8192xi32, #tpu.memory_space<hbm>>
      tpu.enqueue_dma source(%arg6 : memref<8192xi32, #tpu.memory_space<vmem>>) target(%dma_start3A_61 : memref<8192xi32, #tpu.memory_space<hbm>>) target_semaphore(%run_scoped3A : memref<!tpu.dma_semaphore, #tpu.memory_space<semaphore_mem>>)
      %dma_wait3A_62 = tpu.memref_slice %arg4[%rem3A_1, %mul3A_4] : memref<16x16384xi32, #tpu.memory_space<hbm>> -> memref<1x8192xi32, #tpu.memory_space<hbm>>
      %dma_wait3A_63 = tpu.memref_squeeze %dma_wait3A_62 : memref<1x8192xi32, #tpu.memory_space<hbm>> -> memref<8192xi32, #tpu.memory_space<hbm>>
      %dma_wait3A_64 = tpu.memref_slice %arg4[%rem3A_1, %mul3A_4] : memref<16x16384xi32, #tpu.memory_space<hbm>> -> memref<1x8192xi32, #tpu.memory_space<hbm>>
      %dma_wait3A_65 = tpu.memref_squeeze %dma_wait3A_64 : memref<1x8192xi32, #tpu.memory_space<hbm>> -> memref<8192xi32, #tpu.memory_space<hbm>>
      tpu.wait_dma2 semaphore(%run_scoped3A : memref<!tpu.dma_semaphore, #tpu.memory_space<semaphore_mem>>) src(%arg6 : memref<8192xi32, #tpu.memory_space<vmem>>) dst(%dma_wait3A_65 : memref<8192xi32, #tpu.memory_space<hbm>>)
      tpu.yield
    }) : () -> ()
    return
  }
}

</mosaic_0001>

<sc_bundles>
// kernel: kernel.3.cloned.1.call-start
scs
__scs_entry_jumppad:
0x0: {  	(pc) =	sbr.rel $0x88, $3  }
0x1: {  	(tag) =	ssettag $0x0;
	lr =	simm.s32 $0x1  }
0x2: {  	[smem:$0x3F9F] =	sst lr;
	_ =	strace $0xD0000000  }
0x3: {  	_ = 	snop  }
0x4: {  	_ = 	snop  }
0x5: {  	_ = 	snop  }
0x6: {  	_ = 	snop  }
0x7: {  	_ = 	snop  }
__scs_overlays_trampoline_lowered:
0x8: {  	[smem:$0x3FAE] =	sst s0  }
0x9: {  	[smem:$0x3FAF] =	sst s1  }
0xa: {  	[smem:$0x3FB0] =	sst s2  }
0xb: {  	[smem:$0x3FB1] =	sst s3  }
0xc: {  	[smem:$0x3FB2] =	sst s4  }
0xd: {  	[smem:$0x3FB3] =	sst s5  }
0xe: {  	[smem:$0x3FB4] =	sst s6  }
0xf: {  	[smem:$0x3FB5] =	sst s7  }
0x10: {  	[smem:$0x3FB6] =	sst s8  }
0x11: {  	[smem:$0x3FB7] =	sst s9;
	s0 =	simm.s32 @!p0 $0x0  }
0x12: {  	s1 =	sld [smem:$0x3F9D];
	s0 =	simm.s32 @p0 $0x1  }
0x13: {  	[smem:$0x3FB8] =	sst s0;
	s0 =	simm.s32 @!p1 $0x0  }
0x14: {  	s2 =	sld [smem:$0x3F9C];
	s0 =	simm.s32 @p1 $0x1  }
0x15: {  	[smem:$0x3FB9] =	sst s0;
	s0 =	simm.s32 @!p2 $0x0  }
0x16: {  	s3 =	sld [smem:$0x3FDB];
	s0 =	simm.s32 @p2 $0x1  }
0x17: {  	s4 =	simm.s32 $0x1BF5;
	[smem:$0x3FBB] =	sst s0  }
0x18: {  	s0 =	sld [smem:$0x3F9E];
	_ =	swait.ge [sflag:s4], $0x0  }
0x19: {  	s7 =	sld [smem:$0x3F9F]  }
0x1a: {  	s8 =	sadd.s32 $0xFFFFE003, lr  }
0x1b: {  	s9 =	sadd.s32 $0xFFFFFEF7, lr;
	s5 =	simm.s32 $0xFFFFFFFF;
	p2 =	slt.u32 s8, $0xFFFFF086  }
0x1c: {  	p1 =	slt.u32 s9, $0xF7A;
	s5 =	simm.s32 @!p2 $0x0  }
0x1d: {  	s5 =	simm.s32 @p1 $0x1;
	p0 =	seq.s32 s7, s2  }
0x1e: {  	s7 =	smul.u32 @!p0 $0xF7A, s2;
	p2 =	seq.s32 @!p0 s5, $0x0  }
0x1f: {  	s9 =	smul.u32 $0xF7A, s1;
	s8 =	simm.s32 @!p0 $0x1BF5;
	p2 =	por !p2, p0  }
0x20: {  	[sflag:s8] =	ssyncset.s32 @!p0 $0xFFFFF086;
	s6 =	sadd.s32 @!p0 s3, s7;
	s7 =	simm.s32 @!p0 $0x108  }
0x21: {  	s3 =	sadd.s32 s3, s9;
	s6 =	sadd.s32 @!p0 $0x88, s6;
	s7 =	simm.s32 @p2 $0x1082  }
0x22: {  	[simem:s7], [sflag:s8] =	dma.local @!p0 [hbm:s6], $0xF7A  }
0x23: {  	s9 =	sor.u32 $0xD0000000, s2;
	s6 =	simm.s32 $0x108;
	_ =	swait.ge @!p0 [sflag:s8], $0x0  }
0x24: {  	s3 =	sadd.s32 $0x88, s3;
	s6 =	simm.s32 @!p1 $0x1082;
	[sflag:s4] =	ssyncset.s32 $0xFFFFF086  }
0x25: {  	[simem:s6], [sflag:s4] =	dma.local [hbm:s3], $0xF7A  }
0x26: {  	[smem:$0x3F9F] =	sst s1;
	(tag) =	ssettag s2;
	_ =	strace s9  }
0x27: {  	s1 =	sld [smem:$0x3FAF]  }
0x28: {  	s2 =	sld [smem:$0x3FB0]  }
0x29: {  	s4 =	sld [smem:$0x3FB2]  }
0x2a: {  	p0 =	seq.s32 s5, $0x0;
	s5 =	sld [smem:$0x3FB3]  }
0x2b: {  	s6 =	sld [smem:$0x3FB4]  }
0x2c: {  	s7 =	sld [smem:$0x3FB5]  }
0x2d: {  	s3 =	simm.s32 $0x108;
	s8 =	sld [smem:$0x3FB6]  }
0x2e: {  	s3 =	simm.s32 @!p0 $0x1082;
	s9 =	sld [smem:$0x3FB7]  }
0x2f: {  	lr =	sadd.s32 s0, s3;
	s0 =	sld [smem:$0x3FAE]  }
0x30: {  	s3 =	sld [smem:$0x3FB1]  }
0x31: {  	[smem:$0x3FBA] =	sst s10  }
0x32: {  	s10 =	sld [smem:$0x3FB8];
	_ =	sdelay $0x3  }
0x33: {  	p0 =	seq.s32 s10, $0x1;
	s10 =	sld [smem:$0x3FBA];
	_ =	sdelay $0x3  }
0x34: {  	[smem:$0x3FBA] =	sst s10  }
0x35: {  	s10 =	sld [smem:$0x3FB9];
	_ =	sdelay $0x3  }
0x36: {  	p1 =	seq.s32 s10, $0x1;
	s10 =	sld [smem:$0x3FBA];
	_ =	sdelay $0x3  }
0x37: {  	[smem:$0x3FBA] =	sst s10  }
0x38: {  	s10 =	sld [smem:$0x3FBB]  }
0x39: {  	_ = 	snop;
	(pc) =	sbr.ind lr, $3  }
0x3a: {  	_ = 	snop  }
0x3b: {  	_ = 	snop  }
0x3c: {  	p2 =	seq.s32 s10, $0x1;
	s10 =	sld [smem:$0x3FBA]  }
0x3d: {  	_ =	shalt  }
0x3e: {  	_ =	shalt  }
0x3f: {  	_ =	shalt  }
0x40: {  	_ =	shalt  }
0x41: {  	_ =	shalt  }
0x42: {  	_ =	shalt  }
0x43: {  	_ =	shalt  }
0x44: {  	_ =	shalt  }
0x45: {  	_ =	shalt  }
0x46: {  	_ =	shalt  }
0x47: {  	_ =	shalt  }
0x48: {  	_ =	shalt  }
0x49: {  	_ =	shalt  }
0x4a: {  	_ =	shalt  }
0x4b: {  	_ =	shalt  }
0x4c: {  	_ =	shalt  }
0x4d: {  	_ =	shalt  }
0x4e: {  	_ =	shalt  }
0x4f: {  	_ =	shalt  }
0x50: {  	_ =	shalt  }
0x51: {  	_ =	shalt  }
0x52: {  	_ =	shalt  }
0x53: {  	_ =	shalt  }
0x54: {  	_ =	shalt  }
0x55: {  	_ =	shalt  }
0x56: {  	_ =	shalt  }
0x57: {  	_ =	shalt  }
0x58: {  	_ =	shalt  }
0x59: {  	_ =	shalt  }
0x5a: {  	_ =	shalt  }
0x5b: {  	_ =	shalt  }
0x5c: {  	_ =	shalt  }
0x5d: {  	_ =	shalt  }
0x5e: {  	_ =	shalt  }
0x5f: {  	_ =	shalt  }
0x60: {  	_ =	shalt  }
0x61: {  	_ =	shalt  }
0x62: {  	_ =	shalt  }
0x63: {  	_ =	shalt  }
0x64: {  	_ =	shalt  }
0x65: {  	_ =	shalt  }
0x66: {  	_ =	shalt  }
0x67: {  	_ =	shalt  }
0x68: {  	_ =	shalt  }
0x69: {  	_ =	shalt  }
0x6a: {  	_ =	shalt  }
0x6b: {  	_ =	shalt  }
0x6c: {  	_ =	shalt  }
0x6d: {  	_ =	shalt  }
0x6e: {  	_ =	shalt  }
0x6f: {  	_ =	shalt  }
0x70: {  	_ =	shalt  }
0x71: {  	_ =	shalt  }
0x72: {  	_ =	shalt  }
0x73: {  	_ =	shalt  }
0x74: {  	_ =	shalt  }
0x75: {  	_ =	shalt  }
0x76: {  	_ =	shalt  }
0x77: {  	_ =	shalt  }
0x78: {  	_ =	shalt  }
0x79: {  	_ =	shalt  }
0x7a: {  	_ =	shalt  }
0x7b: {  	_ =	shalt  }
0x7c: {  	_ =	shalt  }
0x7d: {  	_ =	shalt  }
0x7e: {  	_ =	shalt  }
0x7f: {  	_ =	shalt  }
0x80: {  	_ =	shalt  }
0x81: {  	_ =	shalt  }
0x82: {  	_ =	shalt  }
0x83: {  	_ =	shalt  }
0x84: {  	_ =	shalt  }
0x85: {  	_ =	shalt  }
0x86: {  	_ =	shalt  }
0x87: {  	_ =	shalt  }
.Lfunc_end0:
.L_simem_size_0:
called_computation_lowered:
.L_overlay_start_0:
0x88: {  	s2 =	sld [smem:$0x3FD9]  }
0x89: {  	s3 =	sld [smem:$0x3FFE];
	_ =	sdelay $0x1  }
0x8a: {  	s1 =	srdreg.scid  }
0x8b: {  	s0 =	sand.u32 $0x1, s1  }
0x8c: {  	s17 =	sshll.u32 s0, $0xA;
	s2 =	sadd.s32 s3, s2  }
0x8d: {  	s2 =	sadd.s32 s2, s17  }
0x8e: {  	[smem:$0x3FC6] =	sst s2  }
0x8f: {  	_ = 	snop  }
0x90: {  	s2 =	sld [smem:$0x3FC9];
	(tm) =	ssettm $0x1  }
0x91: {  	s18 =	sld [smem:$0x3FFB];
	_ =	sdelay $0x3  }
0x92: {  	_ =	strace s18  }
0x93: {  	s3 =	sld [smem:$0x3FFC];
	_ =	sdelay $0x3  }
0x94: {  	_ =	strace s3  }
0x95: {  	s3 =	sld [smem:$0x3FFD];
	_ =	sdelay $0x3  }
0x96: {  	_ =	strace s3  }
0x97: {  	_ =	strace $0x8FFFFFFF  }
0x98: {  	s19 =	sld [smem:$0x3FDB];
	_ =	sdelay $0x1  }
0x99: {  	s4 =	simm.s32 $_scs_section_size  }
0x9a: {  	s5 =	simm.s32 $_size__tile_overlayer_lowered;
	s6 =	simm.s32 $_tile_overlayer_lowered  }
0x9b: {  	s22 =	simm.s32 $0x1BFF;
	s21 =	sshll.u32 s6, $0x1;
	s3 =	sadd.s32 s4, s19  }
0x9c: {  	s7 =	simm.s32 $0x0;
	s20 =	sshll.u32 s5, $0x1;
	s5 =	sadd.s32 s21, s3  }
0x9d: {  	[timem:s7], [sflag:s22] =	dma.local [hbm:s5], s20  }
0x9e: {  	_ =	swait.ge [sflag:s22], s20  }
0x9f: {  	s4 =	ssub.s32 $0x0, s20;
	[sflag:s22] =	ssyncset.done $0x0  }
0xa0: {  	[sflag:s22] =	ssyncadd.s32 s4;
	_ =	sdelay $0x1  }
0xa1: {  	s23 =	simm.s32 $0x1B8B  }
0xa2: {  	_ =	swait.ge [sflag:s23], $0x1  }
0xa3: {  	[sflag:s23] =	ssyncset.done $0x0  }
0xa4: {  	s25 =	simm.s32 $0x1B8E;
	s24 =	sld [smem:$0x3FFE];
	[sflag:s23] =	ssyncadd.s32 $0xFFFFFFFF  }
0xa5: {  	s26 =	simm.s32 $execute0_lowered;
	[smem:$0x3FD2] =	sst s25  }
0xa6: {  	s5 =	sshll.u32 s26, $0x1;
	_ =	strace $0x80000046;
	[dreg:$0x1] =	wrdreg $0xFFFFFFFF  }
0xa7: {  	s28 =	simm.s32 $_size_execute0_lowered;
	s3 =	sadd.s32 s3, s5;
	[dreg:$0x0] =	wrdreg $0x0  }
0xa8: {  	s5 =	sshll.u32 s28, $0x1;
	[dreg:$0x2] =	wrdreg s3  }
0xa9: {  	[dreg:$0x3] =	wrdreg s5  }
0xaa: {  	[dreg:$0x4] =	wrdreg $0xC0  }
0xab: {  	_ =	task [dreg:s7], $0x5FFFF  }
0xac: {  	[dreg:$0x1] =	wrdreg $0xFFFFFFFF  }
0xad: {  	[dreg:$0x0] =	wrdreg $0x60  }
0xae: {  	[dreg:$0x2] =	wrdreg s2  }
0xaf: {  	[dreg:$0x3] =	wrdreg s24  }
0xb0: {  	[dreg:$0x4] =	wrdreg $0x9  }
0xb1: {  	_ =	task.clear_ibuf [dreg:s7], $0x5FFFF;
	_ =	strace $0x90000046  }
0xb2: {  	s29 =	simm.s32 $0x9;
	_ =	strace $0x80000048  }
0xb3: {  	_ =	swait.ge [sflag:s29], $0x1  }
0xb4: {  	[sflag:s29] =	ssyncadd.s32 $0xFFFFFFFF  }
0xb5: {  	_ =	strace $0x90000048  }
0xb6: {  	_ =	sfence  }
0xb7: {  	s30 =	sld [smem:$0x0];
	_ =	sdelay $0x2  }
0xb8: {  	s31 =	sshll.u32 s1, $0xD;
	s1 =	sshrl.u32 s1, $0x2  }
0xb9: {  	s3 =	sand.u32 $0x4000, s31;
	s1 =	sadd.s32 s1, s30  }
0xba: {  	s0 =	sor.u32 s3, s0;
	s1 =	sshll.u32 s1, $0x11  }
0xbb: {  	s0 =	sor.u32 s1, s0  }
0xbc: {  	s0 =	sadd.s32 $0x8F2B, s0  }
0xbd: {  	[sflag:s0] =	ssyncadd.remote.s32 $0x1  }
0xbe: {  	_ =	sfence.sel $0xFFFF  }
0xbf: {  	[dreg:$0x0] =	wrdreg $0xFFFFFFFF;
	(pc) =	sbr.abs _section_cstart, $3  }
0xc0: {  	[dreg:$0x1] =	wrdreg $0xFFFFFFFF  }
0xc1: {  	_ =	task.clear_ibuf [dreg:s7], $0x2FFFF;
	_ =	strace $0x9FFFFFFF  }
0xc2: {  	(tm) =	ssettm $0x7FFFFFFF  }
0xc3: {  	_ =	shalt  }
tec
execute0_lowered:
.L_overlay_start_1:
0x0: {  	(tag) =	ssettag $0x1  }
0x1: {  	s4 =	rddreg [dreg:$0x0];
	s0 =	stileid.u32  }
0x2: {  	s5 =	rddreg [dreg:$0x1];
	s2 =	srdreg.scid  }
0x3: {  	s1 =	rddreg [dreg:$0x2];
	s10 =	simm.s32 $0x2800;
	s11 =	simm.s32 $0x1000  }
0x4: {  	s12 =	simm.s32 $0x3000;
	s13 =	simm.s32 $0x1800;
	s15 =	simm.s32 $0x1  }
0x5: {  	s16 =	simm.s32 $0x0;
	s3 =	sshll.u32 s0, $0x1;
	s6 =	sand.u32 $0x1, s2  }
0x6: {  	s2 =	simm.s32 $0x0;
	s29 =	sshll.u32 s0, $0xA;
	s3 =	sand.u32 $0xE, s3  }
0x7: {  	[smem:$0x7FF] =	sst s2;
	s8 =	sand.u32 $0x2000, s29;
	s7 =	sor.u32 s6, s3  }
0x8: {  	_ =	strace $0x80000047;
	s3 =	sadd.s32 $0x400, s5;
	s6 =	ssub.s32 $0x2, s6  }
0x9: {  	s30 =	sshll.u32 s7, $0xE;
	s31 =	sshrl.u32 s6, $0x1;
	s14 =	smul.u32 $0x186A1, s7  }
0xa: {  	s7 =	simm.s32 $0x2;
	s9 =	sor.u32 s8, s30;
	s8 =	sshrl.u32 s8, $0x3  }
0xb: {  	s6 =	ssub.s32 s6, s31;
	s9 =	sshrl.u32 s9, $0x3;
	s4 =	sadd.s32 s4, s8  }
0xc: {  	s6 =	smax.u32 s6, $0x1;
	s8 =	simm.s32 $0x800;
	s5 =	sadd.s32 s9, s5  }
0xd: {  	v0 =	vmov s14;
	s14 =	simm.s32 $0x3800;
	s9 =	simm.s32 $0x2000;
	s5 =	sadd.s32 $0x31200, s5  }
.LBB2_1:
0xe: {  	[tilespmem:s2], [sflag:$0x2] =	stream.linear.gather [hbm4b:s4+s2], $0x2000, $0x38;
	[tilespmem:$0x4000] =	vst v63  }
0xf: {  	_ =	swait.ge [sflag:s7], $0x2000  }
0x10: {  	[sflag:s7] =	ssyncset.done $0x0  }
0x11: {  	s17 =	simm.s32 $0x80;
	[sflag:s7] =	ssyncadd.s32 $0xFFFFE000  }
0x12: {  	v1 =	vld [tilespmem:s17+$0xFFFFFF80]  }
0x13: {  	v2 =	vld [tilespmem:s17+$0xFFFFFF90]  }
0x14: {  	v3 =	vld [tilespmem:s17+$0xFFFFFFA0]  }
0x15: {  	v4 =	vld [tilespmem:s17+$0xFFFFFFB0]  }
0x16: {  	v5 =	vld [tilespmem:s17+$0xFFFFFFC0]  }
0x17: {  	v6 =	vld [tilespmem:s17+$0xFFFFFFD0];
	v1 =	vadd.s32 v0, v1  }
0x18: {  	[tilespmem:s17+$0xFFFFFF80] =	vst v1;
	v1 =	vadd.s32 v0, v2;
	v2 =	vld [tilespmem:s17+$0xFFFFFFE0]  }
0x19: {  	[tilespmem:s17+$0xFFFFFF90] =	vst v1;
	v1 =	vadd.s32 v0, v3;
	v3 =	vld [tilespmem:s17+$0x0]  }
0x1a: {  	[tilespmem:s17+$0xFFFFFFA0] =	vst v1;
	v1 =	vadd.s32 v0, v4;
	v4 =	vld [tilespmem:s17+$0x10]  }
0x1b: {  	[tilespmem:s17+$0xFFFFFFB0] =	vst v1;
	v1 =	vadd.s32 v0, v5;
	v5 =	vld [tilespmem:s17+$0x20]  }
0x1c: {  	[tilespmem:s17+$0xFFFFFFC0] =	vst v1;
	v1 =	vadd.s32 v0, v6;
	v6 =	vld [tilespmem:s17+$0x30]  }
0x1d: {  	[tilespmem:s17+$0xFFFFFFD0] =	vst v1;
	v2 =	vadd.s32 v0, v2;
	v1 =	vld [tilespmem:s17+$0x40]  }
0x1e: {  	[tilespmem:s17+$0xFFFFFFE0] =	vst v2;
	v3 =	vadd.s32 v0, v3;
	v2 =	vld [tilespmem:s17+$0x50]  }
0x1f: {  	[tilespmem:s17+$0x0] =	vst v3;
	v4 =	vadd.s32 v0, v4;
	v3 =	vld [tilespmem:s17+$0x60]  }
0x20: {  	[tilespmem:s17+$0x10] =	vst v4;
	v7 =	vadd.s32 v0, v5;
	v5 =	vld [tilespmem:s17+$0x70]  }
0x21: {  	s18 =	simm.s32 $0x0;
	s19 =	simm.s32 $0x180;
	v4 =	vld [tilespmem:s17+$0xFFFFFFF0];
	[tilespmem:s17+$0x20] =	vst v7;
	v6 =	vadd.s32 v0, v6  }
.LBB2_2:
0x22: {  	v7 =	vld [tilespmem:s19+$0xFFFFFF80];
	[tilespmem:s17+$0x30] =	vst v6;
	v1 =	vadd.s32 v0, v1  }
0x23: {  	v6 =	vld [tilespmem:s19+$0xFFFFFF90];
	[tilespmem:s17+$0x40] =	vst v1;
	v1 =	vadd.s32 v0, v2  }
0x24: {  	v2 =	vld [tilespmem:s19+$0xFFFFFFA0];
	[tilespmem:s17+$0x50] =	vst v1;
	v1 =	vadd.s32 v0, v3  }
0x25: {  	v3 =	vld [tilespmem:s19+$0xFFFFFFB0];
	[tilespmem:s17+$0x60] =	vst v1;
	v1 =	vadd.s32 v0, v5  }
0x26: {  	v5 =	vld [tilespmem:s19+$0xFFFFFFC0];
	v4 =	vadd.s32 v0, v4;
	[tilespmem:s17+$0x70] =	vst v1  }
0x27: {  	v1 =	vadd.s32 v0, v7;
	v7 =	vld [tilespmem:s19+$0xFFFFFFD0];
	[tilespmem:s17+$0xFFFFFFF0] =	vst v4;
	s17 =	smov.u32 s19  }
0x28: {  	[tilespmem:s19+$0xFFFFFF80] =	vst v1;
	v1 =	vadd.s32 v0, v6;
	v4 =	vld [tilespmem:s19+$0xFFFFFFE0]  }
0x29: {  	[tilespmem:s19+$0xFFFFFF90] =	vst v1;
	v1 =	vadd.s32 v0, v2;
	v2 =	vld [tilespmem:s19+$0x0]  }
0x2a: {  	[tilespmem:s19+$0xFFFFFFA0] =	vst v1;
	v1 =	vadd.s32 v0, v3;
	v3 =	vld [tilespmem:s19+$0x10]  }
0x2b: {  	s18 =	sadd.s32 $0x10, s18;
	[tilespmem:s19+$0xFFFFFFB0] =	vst v1;
	v1 =	vadd.s32 v0, v5;
	v5 =	vld [tilespmem:s19+$0x20]  }
0x2c: {  	p0 =	slt.u32 s18, $0x1F0;
	[tilespmem:s19+$0xFFFFFFC0] =	vst v1;
	v1 =	vadd.s32 v0, v7;
	v6 =	vld [tilespmem:s19+$0x30]  }
.Ltmp0:
0x2d: {  	[tilespmem:s19+$0xFFFFFFD0] =	vst v1;
	v4 =	vadd.s32 v0, v4;
	v1 =	vld [tilespmem:s19+$0x40];
	(pc) =	sbr.rel @p0 .LBB2_2-.Ltmp0, $4  }
0x2e: {  	[tilespmem:s19+$0xFFFFFFE0] =	vst v4;
	v4 =	vadd.s32 v0, v2;
	v2 =	vld [tilespmem:s19+$0x50]  }
0x2f: {  	[tilespmem:s19+$0x0] =	vst v4;
	v4 =	vadd.s32 v0, v3;
	v3 =	vld [tilespmem:s19+$0x60]  }
0x30: {  	[tilespmem:s19+$0x10] =	vst v4;
	v7 =	vadd.s32 v0, v5;
	v5 =	vld [tilespmem:s19+$0x70]  }
0x31: {  	s19 =	sadd.s32 $0x100, s19;
	v4 =	vld [tilespmem:s17+$0xFFFFFFF0];
	[tilespmem:s17+$0x20] =	vst v7;
	v6 =	vadd.s32 v0, v6  }
0x32: {  	[tilespmem:s17+$0x30] =	vst v6;
	v1 =	vadd.s32 v0, v1  }
0x33: {  	[tilespmem:s17+$0x40] =	vst v1;
	v1 =	vadd.s32 v0, v2  }
0x34: {  	[tilespmem:s17+$0x50] =	vst v1;
	v1 =	vadd.s32 v0, v3  }
0x35: {  	[tilespmem:s17+$0x60] =	vst v1;
	v1 =	vadd.s32 v0, v5  }
0x36: {  	v2 =	vadd.s32 v0, v4;
	[tilespmem:s17+$0x70] =	vst v1  }
0x37: {  	[tilespmem:s17+$0xFFFFFFF0] =	vst v2  }
0x38: {  	[tilespmem:s9], [sflag:$0x1] =	stream.indirect.gather [hbm4b:s3+s8], $0x1, s2, s8, $0xb8;
	[tilespmem:$0x4000] =	vst v63  }
0x39: {  	_ = 	snop  }
0x3a: {  	[tilespmem:s10], [sflag:$0x1] =	stream.indirect.gather [hbm4b:s3+s8], $0x1, s8, s8, $0xb8;
	[tilespmem:$0x4000] =	vst v63  }
0x3b: {  	_ = 	snop  }
0x3c: {  	[tilespmem:s12], [sflag:$0x1] =	stream.indirect.gather [hbm4b:s3+s8], $0x1, s11, s8, $0xb8;
	[tilespmem:$0x4000] =	vst v63  }
0x3d: {  	_ = 	snop  }
0x3e: {  	[tilespmem:s14], [sflag:$0x1] =	stream.indirect.gather [hbm4b:s3+s8], $0x1, s13, s8, $0xb8;
	[tilespmem:$0x4000] =	vst v63  }
0x3f: {  	_ =	swait.ge [sflag:s15], $0x800  }
0x40: {  	[sflag:s15] =	ssyncset.done $0x0  }
0x41: {  	[sflag:s15] =	ssyncadd.s32 $0xFFFFF800  }
0x42: {  	_ =	swait.ge [sflag:s15], $0x800  }
0x43: {  	[sflag:s15] =	ssyncset.done $0x0  }
0x44: {  	[sflag:s15] =	ssyncadd.s32 $0xFFFFF800  }
0x45: {  	_ =	swait.ge [sflag:s15], $0x800  }
0x46: {  	[sflag:s15] =	ssyncset.done $0x0  }
0x47: {  	[sflag:s15] =	ssyncadd.s32 $0xFFFFF800  }
0x48: {  	s16 =	sadd.s32 $0x1, s16;
	_ =	swait.ge [sflag:s15], $0x800  }
0x49: {  	p0 =	sne.s32 s16, s6;
	[sflag:s15] =	ssyncset.done $0x0  }
.Ltmp1:
0x4a: {  	[sflag:s15] =	ssyncadd.s32 $0xFFFFF800;
	(pc) =	sbr.rel @p0 .LBB2_1-.Ltmp1, $4  }
0x4b: {  	[hbm4b:s5+s2] =	stream.linear.scatter [tilespmem:s9], [sflag:$0x2], $0x2000, $0x38;
	[tilespmem:$0x4000] =	vst v63  }
0x4c: {  	_ =	swait.ge [sflag:s7], $0x2000  }
0x4d: {  	[sflag:s7] =	ssyncset.done $0x0  }
0x4e: {  	[sflag:s7] =	ssyncadd.s32 $0xFFFFE000  }
0x4f: {  	_ =	sfence.sel $0x180000  }
0x50: {  	[bflag:$0x0] =	sbarrier.arrive $0xFFFF  }
0x51: {  	p0 =	sne.s32 s0, $0x0;
	_ =	strace $0x90000047  }
0x52: {  	s0 =	sadd.s32 @!p0 $0x100000, s1;
	[bflag:$0x2] =	sbarrier.arrive $0xFFFF  }
0x53: {  	[sflag:s0] =	ssyncadd.tile.s32 @!p0 $0x1;
	_ =	shalt  }
.Lfunc_end2:
_tile_overlayer_lowered:
.L_overlay_start_2:
0x54: {  	(tag) =	ssettag $0x2  }
0x55: {  	s0 =	rddreg [dreg:$0x0];
	s2 =	stileid.u32  }
0x56: {  	s1 =	rddreg [dreg:$0x1];
	p0 =	sne.s32 s2, $0x0  }
0x57: {  	s3 =	rddreg [dreg:$0x2];
	[bflag:$0x3] =	sbarrier.arrive $0xFFFF;
	s2 =	simm.s32 @!p0 $0x1C02  }
0x58: {  	[timem:s3], [sflag:s2] =	dma.local @!p0 [hbm:s0], s1  }
0x59: {  	s0 =	simm.s32 @!p0 $0x2  }
0x5a: {  	_ =	swait.ge @!p0 [sflag:s0], s1  }
0x5b: {  	s1 =	ssub.s32 @!p0 $0x0, s1;
	[sflag:s0] =	ssyncset.done @!p0 $0x0  }
0x5c: {  	[sflag:s0] =	ssyncadd.s32 @!p0 s1  }
0x5d: {  	[bflag:$0x3] =	sbarrier.arrive $0xFFFF  }
0x5e: {  	_ =	shalt  }

</sc_bundles>
